<compile_context>
chip_gen: v7x
topology: tpu7x:2x2x1
jax: 0.10.2.dev20260603
libtpu: 0.0.44.dev20260713+nightly
codegen_flags: <defaults>
</compile_context>

<pallas_src>
import jax
import jax.numpy as jnp
from jax import lax
from jax.experimental import pallas as pl
from jax.experimental.pallas import tpu as pltpu
from jax.experimental.pallas import tpu_sc as plsc

_EMBED_DIM = 64
_PAD_DIM = 128
_NUM_WORKERS = 32
_CHUNK = 256
_NBUF = 2


def _emb_body(idx_hbm, table_hbm, out_hbm, idx_v, rows_v, gsems, osems):
    span = idx_v.shape[0]
    n_chunks = span // _CHUNK
    wid = lax.axis_index("s") * 2 + lax.axis_index("c")
    base = wid * span

    pltpu.sync_copy(idx_hbm.at[pl.ds(base, span)], idx_v)

    def fire_gather(b, c):
        pltpu.async_copy(table_hbm.at[idx_v.at[pl.ds(c * _CHUNK, _CHUNK)]],
                         rows_v.at[b], gsems[b])

    def wait_gather(b):
        pltpu.make_async_copy(table_hbm.at[idx_v.at[pl.ds(0, _CHUNK)]],
                              rows_v.at[b], gsems[b]).wait()

    def fire_out(b, c):
        pltpu.async_copy(rows_v.at[b],
                         out_hbm.at[pl.ds(base + c * _CHUNK, _CHUNK)],
                         osems[b])

    def wait_out(b):
        pltpu.make_async_copy(rows_v.at[b],
                              out_hbm.at[pl.ds(0, _CHUNK)], osems[b]).wait()

    for b in range(_NBUF):
        fire_gather(b, b)

    def step(t, carry):
        c0 = t * _NBUF
        for b in range(_NBUF):
            wait_gather(b)
            fire_out(b, c0 + b)
        for b in range(_NBUF):
            wait_out(b)
            fire_gather(b, c0 + _NBUF + b)
        return carry

    lax.fori_loop(0, n_chunks // _NBUF - 1, step, 0, unroll=False)

    c0 = n_chunks - _NBUF
    for b in range(_NBUF):
        wait_gather(b)
        fire_out(b, c0 + b)
    for b in range(_NBUF):
        wait_out(b)


@jax.jit
def _embed(idx_flat, table_p):
    n_idx = idx_flat.shape[0]
    span = n_idx // _NUM_WORKERS
    mesh = plsc.VectorSubcoreMesh(core_axis_name="c", subcore_axis_name="s")
    return pl.kernel(
        _emb_body,
        out_type=jax.ShapeDtypeStruct((n_idx, _PAD_DIM), jnp.float32),
        mesh=mesh,
        scratch_types=[
            pltpu.VMEM((span,), jnp.int32),
            pltpu.VMEM((_NBUF, _CHUNK, _PAD_DIM), jnp.float32),
            [pltpu.SemaphoreType.DMA] * _NBUF,
            [pltpu.SemaphoreType.DMA] * _NBUF,
        ],
        compiler_params=pltpu.CompilerParams(use_tc_tiling_on_sc=True),
    )(idx_flat, table_p)


def kernel(indices, table):
    batch, hist = indices.shape
    idx_flat = indices.astype(jnp.int32).reshape(-1)
    table_p = jnp.pad(table, ((0, 0), (0, _PAD_DIM - _EMBED_DIM)))
    out = _embed(idx_flat, table_p)
    return out[:, :_EMBED_DIM].reshape(batch, hist, _EMBED_DIM)

# --- scband reference (transcript-rebuilt; emitter-appended) ---
"""Pipeline reference for scband-sequence-embedding-11338713662174 (READ-ONLY COPY).

The authoritative reference and input builder live on the scoring server;
editing this copy changes nothing except your own understanding.
"""

import jax, jax.numpy as jnp
import numpy as np

CARDINALITY = 1000000
PADDING_IDX = 1000000  # == cardinality; table has cardinality + 1 rows
EMBED_DIM = 64
BATCH = 4096
HIST_LEN = 200


def setup_inputs(seed: int = 0) -> dict:
    key = jax.random.key(seed)
    k_idx, k_tab = jax.random.split(key)
    # item indices for each event in each user's history sequence
    indices = jax.random.randint(k_idx, (BATCH, HIST_LEN), 0, CARDINALITY)
    # embedding table: cardinality + 1 rows (extra row for padding)
    table = jax.random.normal(k_tab, (CARDINALITY + 1, EMBED_DIM), dtype=jnp.float32) * 0.02
    table = table.at[PADDING_IDX].set(0.0)
    return {"indices": indices, "table": table}


def reference(indices, table):
    # Faithful translation of SequenceEmbedding -> CategoricalEmbedding (non-list)
    # which is torch.nn.Embedding(cardinality + 1, embedding_dim, padding_idx=padding_value).
    # padding row is forced to zero (torch.nn.Embedding padding_idx semantics)
    row_mask = (jnp.arange(table.shape[0]) != PADDING_IDX).astype(table.dtype)[:, None]
    masked_table = table * row_mask
    # embedding lookup: gather rows of the table
    emb = jnp.take(masked_table, indices, axis=0)  # [BATCH, HIST_LEN, EMBED_DIM]
    return emb

if __name__ == "__main__":
    import jax
    _d = setup_inputs()
    print(jax.jit(kernel)(*tuple(_d.values())))

</pallas_src>

<mosaic_0001>
#map = affine_map<(d0, d1) -> (0)>
#map1 = affine_map<(d0, d1) -> (0, 0)>
module attributes {stable_mosaic.version = 14 : i64} {
  func.func @_emb_body(%arg0: i32, %arg1: i32, %arg2: memref<819200xi32, #tpu.memory_space<hbm>>, %arg3: memref<1000001x128xf32, #tpu.memory_space<hbm>>, %arg4: memref<819200x128xf32, #tpu.memory_space<hbm>>, %arg5: memref<25600xi32, #tpu.memory_space<vmem>>, %arg6: memref<2x256x128xf32, #tpu.memory_space<vmem>>, %arg7: memref<!tpu.dma_semaphore, #tpu.memory_space<semaphore_mem>>, %arg8: memref<!tpu.dma_semaphore, #tpu.memory_space<semaphore_mem>>, %arg9: memref<!tpu.dma_semaphore, #tpu.memory_space<semaphore_mem>>, %arg10: memref<!tpu.dma_semaphore, #tpu.memory_space<semaphore_mem>>) attributes {dimension_semantics = [#tpu.dimension_semantics<core_parallel>, #tpu.dimension_semantics<subcore_parallel>], iteration_bounds = array<i64: 2, 16>, scalar_prefetch = 0 : i64, scratch_operands = 6 : i64, tpu.core_type = #tpu.core_type<sc_vector_subcore>, window_params = [{transform_indices = #map}, {transform_indices = #map1}, {transform_indices = #map1}]} {
    %mul3A = arith.constant 2 : i32
    %mul3A_0 = arith.muli %arg1, %mul3A : i32
    %add3A = arith.addi %mul3A_0, %arg0 : i32
    %mul3A_1 = arith.constant 25600 : i32
    %mul3A_2 = arith.muli %add3A, %mul3A_1 : i32
    "tpu.region"() ({
      %run_scoped3A = tpu.sem_alloc : memref<!tpu.dma_semaphore, #tpu.memory_space<semaphore_mem>>
      %dma_start3A_106 = tpu.memref_slice %arg2[%mul3A_2] : memref<819200xi32, #tpu.memory_space<hbm>> -> memref<25600xi32, #tpu.memory_space<hbm>>
      %dma_start3A_107 = tpu.memref_slice %arg2[%mul3A_2] : memref<819200xi32, #tpu.memory_space<hbm>> -> memref<25600xi32, #tpu.memory_space<hbm>>
      tpu.enqueue_dma source(%dma_start3A_107 : memref<25600xi32, #tpu.memory_space<hbm>>) target(%arg5 : memref<25600xi32, #tpu.memory_space<vmem>>) target_semaphore(%run_scoped3A : memref<!tpu.dma_semaphore, #tpu.memory_space<semaphore_mem>>)
      %dma_wait3A_108 = tpu.memref_slice %arg2[%mul3A_2] : memref<819200xi32, #tpu.memory_space<hbm>> -> memref<25600xi32, #tpu.memory_space<hbm>>
      %dma_wait3A_109 = tpu.memref_slice %arg2[%mul3A_2] : memref<819200xi32, #tpu.memory_space<hbm>> -> memref<25600xi32, #tpu.memory_space<hbm>>
      tpu.wait_dma2 semaphore(%run_scoped3A : memref<!tpu.dma_semaphore, #tpu.memory_space<semaphore_mem>>) src(%dma_wait3A_109 : memref<25600xi32, #tpu.memory_space<hbm>>) dst(%arg5 : memref<25600xi32, #tpu.memory_space<vmem>>)
      tpu.yield
    }) : () -> ()
    %dma_start3A = arith.constant 0 : i32
    %dma_start3A_3 = arith.constant 0 : i32
    %dma_start3A_4 = arith.constant 0 : i32
    %dma_start3A_5 = tpu.memref_slice %arg6[%dma_start3A, %dma_start3A_3, %dma_start3A_4] : memref<2x256x128xf32, #tpu.memory_space<vmem>> -> memref<1x256x128xf32, #tpu.memory_space<vmem>>
    %dma_start3A_6 = tpu.memref_squeeze %dma_start3A_5 : memref<1x256x128xf32, #tpu.memory_space<vmem>> -> memref<256x128xf32, #tpu.memory_space<vmem>>
    %dma_start3A_7 = arith.constant 0 : i32
    %dma_start3A_8 = tpu.memref_slice %arg5[%dma_start3A_7] : memref<25600xi32, #tpu.memory_space<vmem>> -> memref<256xi32, #tpu.memory_space<vmem>>
    %dma_start3A_9 = arith.constant 0 : i32
    %dma_start3A_10 = arith.constant 0 : i32
    %dma_start3A_11 = tpu.memref_slice %arg3[%dma_start3A_9, %dma_start3A_10] : memref<1000001x128xf32, #tpu.memory_space<hbm>> -> memref<1000001x128xf32, #tpu.memory_space<hbm>>
    tpu.enqueue_indirect_dma source(%dma_start3A_11 : memref<1000001x128xf32, #tpu.memory_space<hbm>>) target(%dma_start3A_6 : memref<256x128xf32, #tpu.memory_space<vmem>>) offsets(%dma_start3A_8 : memref<256xi32, #tpu.memory_space<vmem>>) semaphore(%arg7 : memref<!tpu.dma_semaphore, #tpu.memory_space<semaphore_mem>>)
    %dma_start3A_12 = arith.constant 1 : i32
    %dma_start3A_13 = arith.constant 0 : i32
    %dma_start3A_14 = arith.constant 0 : i32
    %dma_start3A_15 = tpu.memref_slice %arg6[%dma_start3A_12, %dma_start3A_13, %dma_start3A_14] : memref<2x256x128xf32, #tpu.memory_space<vmem>> -> memref<1x256x128xf32, #tpu.memory_space<vmem>>
    %dma_start3A_16 = tpu.memref_squeeze %dma_start3A_15 : memref<1x256x128xf32, #tpu.memory_space<vmem>> -> memref<256x128xf32, #tpu.memory_space<vmem>>
    %dma_start3A_17 = arith.constant 256 : i32
    %dma_start3A_18 = tpu.memref_slice %arg5[%dma_start3A_17] : memref<25600xi32, #tpu.memory_space<vmem>> -> memref<256xi32, #tpu.memory_space<vmem>>
    %dma_start3A_19 = arith.constant 0 : i32
    %dma_start3A_20 = arith.constant 0 : i32
    %dma_start3A_21 = tpu.memref_slice %arg3[%dma_start3A_19, %dma_start3A_20] : memref<1000001x128xf32, #tpu.memory_space<hbm>> -> memref<1000001x128xf32, #tpu.memory_space<hbm>>
    tpu.enqueue_indirect_dma source(%dma_start3A_21 : memref<1000001x128xf32, #tpu.memory_space<hbm>>) target(%dma_start3A_16 : memref<256x128xf32, #tpu.memory_space<vmem>>) offsets(%dma_start3A_18 : memref<256xi32, #tpu.memory_space<vmem>>) semaphore(%arg8 : memref<!tpu.dma_semaphore, #tpu.memory_space<semaphore_mem>>)
    %scan3A = arith.constant 0 : i32
    %scan3A_22 = arith.constant 0 : i32
    %scan3A_23 = arith.constant 49 : i32
    %scan3A_24 = arith.addi %scan3A_22, %scan3A_23 : i32
    %scan3A_25 = arith.constant 1 : i32
    scf.for %scan3A_106 = %scan3A_22 to %scan3A_24 step %scan3A_25  : i32 {
      %mul3A_107 = arith.constant 2 : i32
      %mul3A_108 = arith.muli %scan3A_106, %mul3A_107 : i32
      %dma_wait3A_109 = arith.constant 0 : i32
      %dma_wait3A_110 = arith.constant 0 : i32
      %dma_wait3A_111 = arith.constant 0 : i32
      %dma_wait3A_112 = tpu.memref_slice %arg6[%dma_wait3A_109, %dma_wait3A_110, %dma_wait3A_111] : memref<2x256x128xf32, #tpu.memory_space<vmem>> -> memref<1x256x128xf32, #tpu.memory_space<vmem>>
      %dma_wait3A_113 = tpu.memref_squeeze %dma_wait3A_112 : memref<1x256x128xf32, #tpu.memory_space<vmem>> -> memref<256x128xf32, #tpu.memory_space<vmem>>
      %dma_wait3A_114 = arith.constant 0 : i32
      %dma_wait3A_115 = tpu.memref_slice %arg5[%dma_wait3A_114] : memref<25600xi32, #tpu.memory_space<vmem>> -> memref<256xi32, #tpu.memory_space<vmem>>
      %dma_wait3A_116 = arith.constant 0 : i32
      %dma_wait3A_117 = arith.constant 0 : i32
      %dma_wait3A_118 = tpu.memref_slice %arg3[%dma_wait3A_116, %dma_wait3A_117] : memref<1000001x128xf32, #tpu.memory_space<hbm>> -> memref<1000001x128xf32, #tpu.memory_space<hbm>>
      tpu.wait_indirect_dma semaphore(%arg7 : memref<!tpu.dma_semaphore, #tpu.memory_space<semaphore_mem>>) src(%dma_wait3A_118 : memref<1000001x128xf32, #tpu.memory_space<hbm>>) dst(%dma_wait3A_113 : memref<256x128xf32, #tpu.memory_space<vmem>>)
      %add3A_119 = arith.constant 0 : i32
      %add3A_120 = arith.addi %mul3A_108, %add3A_119 : i32
      %mul3A_121 = arith.constant 256 : i32
      %mul3A_122 = arith.muli %add3A_120, %mul3A_121 : i32
      %add3A_123 = arith.addi %mul3A_2, %mul3A_122 : i32
      %dma_start3A_124 = arith.constant 0 : i32
      %dma_start3A_125 = arith.constant 0 : i32
      %dma_start3A_126 = arith.constant 0 : i32
      %dma_start3A_127 = tpu.memref_slice %arg6[%dma_start3A_124, %dma_start3A_125, %dma_start3A_126] : memref<2x256x128xf32, #tpu.memory_space<vmem>> -> memref<1x256x128xf32, #tpu.memory_space<vmem>>
      %dma_start3A_128 = tpu.memref_squeeze %dma_start3A_127 : memref<1x256x128xf32, #tpu.memory_space<vmem>> -> memref<256x128xf32, #tpu.memory_space<vmem>>
      %dma_start3A_129 = arith.constant 0 : i32
      %dma_start3A_130 = tpu.memref_slice %arg4[%add3A_123, %dma_start3A_129] : memref<819200x128xf32, #tpu.memory_space<hbm>> -> memref<256x128xf32, #tpu.memory_space<hbm>>
      %dma_start3A_131 = arith.constant 0 : i32
      %dma_start3A_132 = tpu.memref_slice %arg4[%add3A_123, %dma_start3A_131] : memref<819200x128xf32, #tpu.memory_space<hbm>> -> memref<256x128xf32, #tpu.memory_space<hbm>>
      %dma_start3A_133 = arith.constant 0 : i32
      %dma_start3A_134 = arith.constant 0 : i32
      %dma_start3A_135 = tpu.memref_slice %arg6[%dma_start3A_124, %dma_start3A_133, %dma_start3A_134] : memref<2x256x128xf32, #tpu.memory_space<vmem>> -> memref<1x256x128xf32, #tpu.memory_space<vmem>>
      %dma_start3A_136 = tpu.memref_squeeze %dma_start3A_135 : memref<1x256x128xf32, #tpu.memory_space<vmem>> -> memref<256x128xf32, #tpu.memory_space<vmem>>
      tpu.enqueue_dma source(%dma_start3A_136 : memref<256x128xf32, #tpu.memory_space<vmem>>) target(%dma_start3A_132 : memref<256x128xf32, #tpu.memory_space<hbm>>) target_semaphore(%arg9 : memref<!tpu.dma_semaphore, #tpu.memory_space<semaphore_mem>>)
      %dma_wait3A_137 = arith.constant 1 : i32
      %dma_wait3A_138 = arith.constant 0 : i32
      %dma_wait3A_139 = arith.constant 0 : i32
      %dma_wait3A_140 = tpu.memref_slice %arg6[%dma_wait3A_137, %dma_wait3A_138, %dma_wait3A_139] : memref<2x256x128xf32, #tpu.memory_space<vmem>> -> memref<1x256x128xf32, #tpu.memory_space<vmem>>
      %dma_wait3A_141 = tpu.memref_squeeze %dma_wait3A_140 : memref<1x256x128xf32, #tpu.memory_space<vmem>> -> memref<256x128xf32, #tpu.memory_space<vmem>>
      %dma_wait3A_142 = arith.constant 0 : i32
      %dma_wait3A_143 = tpu.memref_slice %arg5[%dma_wait3A_142] : memref<25600xi32, #tpu.memory_space<vmem>> -> memref<256xi32, #tpu.memory_space<vmem>>
      %dma_wait3A_144 = arith.constant 0 : i32
      %dma_wait3A_145 = arith.constant 0 : i32
      %dma_wait3A_146 = tpu.memref_slice %arg3[%dma_wait3A_144, %dma_wait3A_145] : memref<1000001x128xf32, #tpu.memory_space<hbm>> -> memref<1000001x128xf32, #tpu.memory_space<hbm>>
      tpu.wait_indirect_dma semaphore(%arg8 : memref<!tpu.dma_semaphore, #tpu.memory_space<semaphore_mem>>) src(%dma_wait3A_146 : memref<1000001x128xf32, #tpu.memory_space<hbm>>) dst(%dma_wait3A_141 : memref<256x128xf32, #tpu.memory_space<vmem>>)
      %add3A_147 = arith.constant 1 : i32
      %add3A_148 = arith.addi %mul3A_108, %add3A_147 : i32
      %mul3A_149 = arith.constant 256 : i32
      %mul3A_150 = arith.muli %add3A_148, %mul3A_149 : i32
      %add3A_151 = arith.addi %mul3A_2, %mul3A_150 : i32
      %dma_start3A_152 = arith.constant 1 : i32
      %dma_start3A_153 = arith.constant 0 : i32
      %dma_start3A_154 = arith.constant 0 : i32
      %dma_start3A_155 = tpu.memref_slice %arg6[%dma_start3A_152, %dma_start3A_153, %dma_start3A_154] : memref<2x256x128xf32, #tpu.memory_space<vmem>> -> memref<1x256x128xf32, #tpu.memory_space<vmem>>
      %dma_start3A_156 = tpu.memref_squeeze %dma_start3A_155 : memref<1x256x128xf32, #tpu.memory_space<vmem>> -> memref<256x128xf32, #tpu.memory_space<vmem>>
      %dma_start3A_157 = arith.constant 0 : i32
      %dma_start3A_158 = tpu.memref_slice %arg4[%add3A_151, %dma_start3A_157] : memref<819200x128xf32, #tpu.memory_space<hbm>> -> memref<256x128xf32, #tpu.memory_space<hbm>>
      %dma_start3A_159 = arith.constant 0 : i32
      %dma_start3A_160 = tpu.memref_slice %arg4[%add3A_151, %dma_start3A_159] : memref<819200x128xf32, #tpu.memory_space<hbm>> -> memref<256x128xf32, #tpu.memory_space<hbm>>
      %dma_start3A_161 = arith.constant 0 : i32
      %dma_start3A_162 = arith.constant 0 : i32
      %dma_start3A_163 = tpu.memref_slice %arg6[%dma_start3A_152, %dma_start3A_161, %dma_start3A_162] : memref<2x256x128xf32, #tpu.memory_space<vmem>> -> memref<1x256x128xf32, #tpu.memory_space<vmem>>
      %dma_start3A_164 = tpu.memref_squeeze %dma_start3A_163 : memref<1x256x128xf32, #tpu.memory_space<vmem>> -> memref<256x128xf32, #tpu.memory_space<vmem>>
      tpu.enqueue_dma source(%dma_start3A_164 : memref<256x128xf32, #tpu.memory_space<vmem>>) target(%dma_start3A_160 : memref<256x128xf32, #tpu.memory_space<hbm>>) target_semaphore(%arg10 : memref<!tpu.dma_semaphore, #tpu.memory_space<semaphore_mem>>)
      %dma_wait3A_165 = arith.constant 0 : i32
      %dma_wait3A_166 = arith.constant 0 : i32
      %dma_wait3A_167 = arith.constant 0 : i32
      %dma_wait3A_168 = tpu.memref_slice %arg6[%dma_wait3A_165, %dma_wait3A_166, %dma_wait3A_167] : memref<2x256x128xf32, #tpu.memory_space<vmem>> -> memref<1x256x128xf32, #tpu.memory_space<vmem>>
      %dma_wait3A_169 = tpu.memref_squeeze %dma_wait3A_168 : memref<1x256x128xf32, #tpu.memory_space<vmem>> -> memref<256x128xf32, #tpu.memory_space<vmem>>
      %dma_wait3A_170 = arith.constant 0 : i32
      %dma_wait3A_171 = arith.constant 0 : i32
      %dma_wait3A_172 = tpu.memref_slice %arg4[%dma_wait3A_170, %dma_wait3A_171] : memref<819200x128xf32, #tpu.memory_space<hbm>> -> memref<256x128xf32, #tpu.memory_space<hbm>>
      %dma_wait3A_173 = arith.constant 0 : i32
      %dma_wait3A_174 = arith.constant 0 : i32
      %dma_wait3A_175 = tpu.memref_slice %arg4[%dma_wait3A_173, %dma_wait3A_174] : memref<819200x128xf32, #tpu.memory_space<hbm>> -> memref<256x128xf32, #tpu.memory_space<hbm>>
      %dma_wait3A_176 = arith.constant 0 : i32
      %dma_wait3A_177 = arith.constant 0 : i32
      %dma_wait3A_178 = tpu.memref_slice %arg6[%dma_wait3A_165, %dma_wait3A_176, %dma_wait3A_177] : memref<2x256x128xf32, #tpu.memory_space<vmem>> -> memref<1x256x128xf32, #tpu.memory_space<vmem>>
      %dma_wait3A_179 = tpu.memref_squeeze %dma_wait3A_178 : memref<1x256x128xf32, #tpu.memory_space<vmem>> -> memref<256x128xf32, #tpu.memory_space<vmem>>
      tpu.wait_dma2 semaphore(%arg9 : memref<!tpu.dma_semaphore, #tpu.memory_space<semaphore_mem>>) src(%dma_wait3A_179 : memref<256x128xf32, #tpu.memory_space<vmem>>) dst(%dma_wait3A_175 : memref<256x128xf32, #tpu.memory_space<hbm>>)
      %add3A_180 = arith.constant 2 : i32
      %add3A_181 = arith.addi %mul3A_108, %add3A_180 : i32
      %add3A_182 = arith.constant 0 : i32
      %add3A_183 = arith.addi %add3A_181, %add3A_182 : i32
      %mul3A_184 = arith.constant 256 : i32
      %mul3A_185 = arith.muli %add3A_183, %mul3A_184 : i32
      %dma_start3A_186 = arith.constant 0 : i32
      %dma_start3A_187 = arith.constant 0 : i32
      %dma_start3A_188 = arith.constant 0 : i32
      %dma_start3A_189 = tpu.memref_slice %arg6[%dma_start3A_186, %dma_start3A_187, %dma_start3A_188] : memref<2x256x128xf32, #tpu.memory_space<vmem>> -> memref<1x256x128xf32, #tpu.memory_space<vmem>>
      %dma_start3A_190 = tpu.memref_squeeze %dma_start3A_189 : memref<1x256x128xf32, #tpu.memory_space<vmem>> -> memref<256x128xf32, #tpu.memory_space<vmem>>
      %dma_start3A_191 = tpu.memref_slice %arg5[%mul3A_185] : memref<25600xi32, #tpu.memory_space<vmem>> -> memref<256xi32, #tpu.memory_space<vmem>>
      %dma_start3A_192 = arith.constant 0 : i32
      %dma_start3A_193 = arith.constant 0 : i32
      %dma_start3A_194 = tpu.memref_slice %arg3[%dma_start3A_192, %dma_start3A_193] : memref<1000001x128xf32, #tpu.memory_space<hbm>> -> memref<1000001x128xf32, #tpu.memory_space<hbm>>
      tpu.enqueue_indirect_dma source(%dma_start3A_194 : memref<1000001x128xf32, #tpu.memory_space<hbm>>) target(%dma_start3A_190 : memref<256x128xf32, #tpu.memory_space<vmem>>) offsets(%dma_start3A_191 : memref<256xi32, #tpu.memory_space<vmem>>) semaphore(%arg7 : memref<!tpu.dma_semaphore, #tpu.memory_space<semaphore_mem>>)
      %dma_wait3A_195 = arith.constant 1 : i32
      %dma_wait3A_196 = arith.constant 0 : i32
      %dma_wait3A_197 = arith.constant 0 : i32
      %dma_wait3A_198 = tpu.memref_slice %arg6[%dma_wait3A_195, %dma_wait3A_196, %dma_wait3A_197] : memref<2x256x128xf32, #tpu.memory_space<vmem>> -> memref<1x256x128xf32, #tpu.memory_space<vmem>>
      %dma_wait3A_199 = tpu.memref_squeeze %dma_wait3A_198 : memref<1x256x128xf32, #tpu.memory_space<vmem>> -> memref<256x128xf32, #tpu.memory_space<vmem>>
      %dma_wait3A_200 = arith.constant 0 : i32
      %dma_wait3A_201 = arith.constant 0 : i32
      %dma_wait3A_202 = tpu.memref_slice %arg4[%dma_wait3A_200, %dma_wait3A_201] : memref<819200x128xf32, #tpu.memory_space<hbm>> -> memref<256x128xf32, #tpu.memory_space<hbm>>
      %dma_wait3A_203 = arith.constant 0 : i32
      %dma_wait3A_204 = arith.constant 0 : i32
      %dma_wait3A_205 = tpu.memref_slice %arg4[%dma_wait3A_203, %dma_wait3A_204] : memref<819200x128xf32, #tpu.memory_space<hbm>> -> memref<256x128xf32, #tpu.memory_space<hbm>>
      %dma_wait3A_206 = arith.constant 0 : i32
      %dma_wait3A_207 = arith.constant 0 : i32
      %dma_wait3A_208 = tpu.memref_slice %arg6[%dma_wait3A_195, %dma_wait3A_206, %dma_wait3A_207] : memref<2x256x128xf32, #tpu.memory_space<vmem>> -> memref<1x256x128xf32, #tpu.memory_space<vmem>>
      %dma_wait3A_209 = tpu.memref_squeeze %dma_wait3A_208 : memref<1x256x128xf32, #tpu.memory_space<vmem>> -> memref<256x128xf32, #tpu.memory_space<vmem>>
      tpu.wait_dma2 semaphore(%arg10 : memref<!tpu.dma_semaphore, #tpu.memory_space<semaphore_mem>>) src(%dma_wait3A_209 : memref<256x128xf32, #tpu.memory_space<vmem>>) dst(%dma_wait3A_205 : memref<256x128xf32, #tpu.memory_space<hbm>>)
      %add3A_210 = arith.constant 2 : i32
      %add3A_211 = arith.addi %mul3A_108, %add3A_210 : i32
      %add3A_212 = arith.constant 1 : i32
      %add3A_213 = arith.addi %add3A_211, %add3A_212 : i32
      %mul3A_214 = arith.constant 256 : i32
      %mul3A_215 = arith.muli %add3A_213, %mul3A_214 : i32
      %dma_start3A_216 = arith.constant 1 : i32
      %dma_start3A_217 = arith.constant 0 : i32
      %dma_start3A_218 = arith.constant 0 : i32
      %dma_start3A_219 = tpu.memref_slice %arg6[%dma_start3A_216, %dma_start3A_217, %dma_start3A_218] : memref<2x256x128xf32, #tpu.memory_space<vmem>> -> memref<1x256x128xf32, #tpu.memory_space<vmem>>
      %dma_start3A_220 = tpu.memref_squeeze %dma_start3A_219 : memref<1x256x128xf32, #tpu.memory_space<vmem>> -> memref<256x128xf32, #tpu.memory_space<vmem>>
      %dma_start3A_221 = tpu.memref_slice %arg5[%mul3A_215] : memref<25600xi32, #tpu.memory_space<vmem>> -> memref<256xi32, #tpu.memory_space<vmem>>
      %dma_start3A_222 = arith.constant 0 : i32
      %dma_start3A_223 = arith.constant 0 : i32
      %dma_start3A_224 = tpu.memref_slice %arg3[%dma_start3A_222, %dma_start3A_223] : memref<1000001x128xf32, #tpu.memory_space<hbm>> -> memref<1000001x128xf32, #tpu.memory_space<hbm>>
      tpu.enqueue_indirect_dma source(%dma_start3A_224 : memref<1000001x128xf32, #tpu.memory_space<hbm>>) target(%dma_start3A_220 : memref<256x128xf32, #tpu.memory_space<vmem>>) offsets(%dma_start3A_221 : memref<256xi32, #tpu.memory_space<vmem>>) semaphore(%arg8 : memref<!tpu.dma_semaphore, #tpu.memory_space<semaphore_mem>>)
    }
    %scan3A_26 = arith.constant 49 : i32
    %dma_wait3A = arith.constant 0 : i32
    %dma_wait3A_27 = arith.constant 0 : i32
    %dma_wait3A_28 = arith.constant 0 : i32
    %dma_wait3A_29 = tpu.memref_slice %arg6[%dma_wait3A, %dma_wait3A_27, %dma_wait3A_28] : memref<2x256x128xf32, #tpu.memory_space<vmem>> -> memref<1x256x128xf32, #tpu.memory_space<vmem>>
    %dma_wait3A_30 = tpu.memref_squeeze %dma_wait3A_29 : memref<1x256x128xf32, #tpu.memory_space<vmem>> -> memref<256x128xf32, #tpu.memory_space<vmem>>
    %dma_wait3A_31 = arith.constant 0 : i32
    %dma_wait3A_32 = tpu.memref_slice %arg5[%dma_wait3A_31] : memref<25600xi32, #tpu.memory_space<vmem>> -> memref<256xi32, #tpu.memory_space<vmem>>
    %dma_wait3A_33 = arith.constant 0 : i32
    %dma_wait3A_34 = arith.constant 0 : i32
    %dma_wait3A_35 = tpu.memref_slice %arg3[%dma_wait3A_33, %dma_wait3A_34] : memref<1000001x128xf32, #tpu.memory_space<hbm>> -> memref<1000001x128xf32, #tpu.memory_space<hbm>>
    tpu.wait_indirect_dma semaphore(%arg7 : memref<!tpu.dma_semaphore, #tpu.memory_space<semaphore_mem>>) src(%dma_wait3A_35 : memref<1000001x128xf32, #tpu.memory_space<hbm>>) dst(%dma_wait3A_30 : memref<256x128xf32, #tpu.memory_space<vmem>>)
    %add3A_36 = arith.constant 25088 : i32
    %add3A_37 = arith.addi %mul3A_2, %add3A_36 : i32
    %dma_start3A_38 = arith.constant 0 : i32
    %dma_start3A_39 = arith.constant 0 : i32
    %dma_start3A_40 = arith.constant 0 : i32
    %dma_start3A_41 = tpu.memref_slice %arg6[%dma_start3A_38, %dma_start3A_39, %dma_start3A_40] : memref<2x256x128xf32, #tpu.memory_space<vmem>> -> memref<1x256x128xf32, #tpu.memory_space<vmem>>
    %dma_start3A_42 = tpu.memref_squeeze %dma_start3A_41 : memref<1x256x128xf32, #tpu.memory_space<vmem>> -> memref<256x128xf32, #tpu.memory_space<vmem>>
    %dma_start3A_43 = arith.constant 0 : i32
    %dma_start3A_44 = tpu.memref_slice %arg4[%add3A_37, %dma_start3A_43] : memref<819200x128xf32, #tpu.memory_space<hbm>> -> memref<256x128xf32, #tpu.memory_space<hbm>>
    %dma_start3A_45 = arith.constant 0 : i32
    %dma_start3A_46 = tpu.memref_slice %arg4[%add3A_37, %dma_start3A_45] : memref<819200x128xf32, #tpu.memory_space<hbm>> -> memref<256x128xf32, #tpu.memory_space<hbm>>
    %dma_start3A_47 = arith.constant 0 : i32
    %dma_start3A_48 = arith.constant 0 : i32
    %dma_start3A_49 = tpu.memref_slice %arg6[%dma_start3A_38, %dma_start3A_47, %dma_start3A_48] : memref<2x256x128xf32, #tpu.memory_space<vmem>> -> memref<1x256x128xf32, #tpu.memory_space<vmem>>
    %dma_start3A_50 = tpu.memref_squeeze %dma_start3A_49 : memref<1x256x128xf32, #tpu.memory_space<vmem>> -> memref<256x128xf32, #tpu.memory_space<vmem>>
    tpu.enqueue_dma source(%dma_start3A_50 : memref<256x128xf32, #tpu.memory_space<vmem>>) target(%dma_start3A_46 : memref<256x128xf32, #tpu.memory_space<hbm>>) target_semaphore(%arg9 : memref<!tpu.dma_semaphore, #tpu.memory_space<semaphore_mem>>)
    %dma_wait3A_51 = arith.constant 1 : i32
    %dma_wait3A_52 = arith.constant 0 : i32
    %dma_wait3A_53 = arith.constant 0 : i32
    %dma_wait3A_54 = tpu.memref_slice %arg6[%dma_wait3A_51, %dma_wait3A_52, %dma_wait3A_53] : memref<2x256x128xf32, #tpu.memory_space<vmem>> -> memref<1x256x128xf32, #tpu.memory_space<vmem>>
    %dma_wait3A_55 = tpu.memref_squeeze %dma_wait3A_54 : memref<1x256x128xf32, #tpu.memory_space<vmem>> -> memref<256x128xf32, #tpu.memory_space<vmem>>
    %dma_wait3A_56 = arith.constant 0 : i32
    %dma_wait3A_57 = tpu.memref_slice %arg5[%dma_wait3A_56] : memref<25600xi32, #tpu.memory_space<vmem>> -> memref<256xi32, #tpu.memory_space<vmem>>
    %dma_wait3A_58 = arith.constant 0 : i32
    %dma_wait3A_59 = arith.constant 0 : i32
    %dma_wait3A_60 = tpu.memref_slice %arg3[%dma_wait3A_58, %dma_wait3A_59] : memref<1000001x128xf32, #tpu.memory_space<hbm>> -> memref<1000001x128xf32, #tpu.memory_space<hbm>>
    tpu.wait_indirect_dma semaphore(%arg8 : memref<!tpu.dma_semaphore, #tpu.memory_space<semaphore_mem>>) src(%dma_wait3A_60 : memref<1000001x128xf32, #tpu.memory_space<hbm>>) dst(%dma_wait3A_55 : memref<256x128xf32, #tpu.memory_space<vmem>>)
    %add3A_61 = arith.constant 25344 : i32
    %add3A_62 = arith.addi %mul3A_2, %add3A_61 : i32
    %dma_start3A_63 = arith.constant 1 : i32
    %dma_start3A_64 = arith.constant 0 : i32
    %dma_start3A_65 = arith.constant 0 : i32
    %dma_start3A_66 = tpu.memref_slice %arg6[%dma_start3A_63, %dma_start3A_64, %dma_start3A_65] : memref<2x256x128xf32, #tpu.memory_space<vmem>> -> memref<1x256x128xf32, #tpu.memory_space<vmem>>
    %dma_start3A_67 = tpu.memref_squeeze %dma_start3A_66 : memref<1x256x128xf32, #tpu.memory_space<vmem>> -> memref<256x128xf32, #tpu.memory_space<vmem>>
    %dma_start3A_68 = arith.constant 0 : i32
    %dma_start3A_69 = tpu.memref_slice %arg4[%add3A_62, %dma_start3A_68] : memref<819200x128xf32, #tpu.memory_space<hbm>> -> memref<256x128xf32, #tpu.memory_space<hbm>>
    %dma_start3A_70 = arith.constant 0 : i32
    %dma_start3A_71 = tpu.memref_slice %arg4[%add3A_62, %dma_start3A_70] : memref<819200x128xf32, #tpu.memory_space<hbm>> -> memref<256x128xf32, #tpu.memory_space<hbm>>
    %dma_start3A_72 = arith.constant 0 : i32
    %dma_start3A_73 = arith.constant 0 : i32
    %dma_start3A_74 = tpu.memref_slice %arg6[%dma_start3A_63, %dma_start3A_72, %dma_start3A_73] : memref<2x256x128xf32, #tpu.memory_space<vmem>> -> memref<1x256x128xf32, #tpu.memory_space<vmem>>
    %dma_start3A_75 = tpu.memref_squeeze %dma_start3A_74 : memref<1x256x128xf32, #tpu.memory_space<vmem>> -> memref<256x128xf32, #tpu.memory_space<vmem>>
    tpu.enqueue_dma source(%dma_start3A_75 : memref<256x128xf32, #tpu.memory_space<vmem>>) target(%dma_start3A_71 : memref<256x128xf32, #tpu.memory_space<hbm>>) target_semaphore(%arg10 : memref<!tpu.dma_semaphore, #tpu.memory_space<semaphore_mem>>)
    %dma_wait3A_76 = arith.constant 0 : i32
    %dma_wait3A_77 = arith.constant 0 : i32
    %dma_wait3A_78 = arith.constant 0 : i32
    %dma_wait3A_79 = tpu.memref_slice %arg6[%dma_wait3A_76, %dma_wait3A_77, %dma_wait3A_78] : memref<2x256x128xf32, #tpu.memory_space<vmem>> -> memref<1x256x128xf32, #tpu.memory_space<vmem>>
    %dma_wait3A_80 = tpu.memref_squeeze %dma_wait3A_79 : memref<1x256x128xf32, #tpu.memory_space<vmem>> -> memref<256x128xf32, #tpu.memory_space<vmem>>
    %dma_wait3A_81 = arith.constant 0 : i32
    %dma_wait3A_82 = arith.constant 0 : i32
    %dma_wait3A_83 = tpu.memref_slice %arg4[%dma_wait3A_81, %dma_wait3A_82] : memref<819200x128xf32, #tpu.memory_space<hbm>> -> memref<256x128xf32, #tpu.memory_space<hbm>>
    %dma_wait3A_84 = arith.constant 0 : i32
    %dma_wait3A_85 = arith.constant 0 : i32
    %dma_wait3A_86 = tpu.memref_slice %arg4[%dma_wait3A_84, %dma_wait3A_85] : memref<819200x128xf32, #tpu.memory_space<hbm>> -> memref<256x128xf32, #tpu.memory_space<hbm>>
    %dma_wait3A_87 = arith.constant 0 : i32
    %dma_wait3A_88 = arith.constant 0 : i32
    %dma_wait3A_89 = tpu.memref_slice %arg6[%dma_wait3A_76, %dma_wait3A_87, %dma_wait3A_88] : memref<2x256x128xf32, #tpu.memory_space<vmem>> -> memref<1x256x128xf32, #tpu.memory_space<vmem>>
    %dma_wait3A_90 = tpu.memref_squeeze %dma_wait3A_89 : memref<1x256x128xf32, #tpu.memory_space<vmem>> -> memref<256x128xf32, #tpu.memory_space<vmem>>
    tpu.wait_dma2 semaphore(%arg9 : memref<!tpu.dma_semaphore, #tpu.memory_space<semaphore_mem>>) src(%dma_wait3A_90 : memref<256x128xf32, #tpu.memory_space<vmem>>) dst(%dma_wait3A_86 : memref<256x128xf32, #tpu.memory_space<hbm>>)
    %dma_wait3A_91 = arith.constant 1 : i32
    %dma_wait3A_92 = arith.constant 0 : i32
    %dma_wait3A_93 = arith.constant 0 : i32
    %dma_wait3A_94 = tpu.memref_slice %arg6[%dma_wait3A_91, %dma_wait3A_92, %dma_wait3A_93] : memref<2x256x128xf32, #tpu.memory_space<vmem>> -> memref<1x256x128xf32, #tpu.memory_space<vmem>>
    %dma_wait3A_95 = tpu.memref_squeeze %dma_wait3A_94 : memref<1x256x128xf32, #tpu.memory_space<vmem>> -> memref<256x128xf32, #tpu.memory_space<vmem>>
    %dma_wait3A_96 = arith.constant 0 : i32
    %dma_wait3A_97 = arith.constant 0 : i32
    %dma_wait3A_98 = tpu.memref_slice %arg4[%dma_wait3A_96, %dma_wait3A_97] : memref<819200x128xf32, #tpu.memory_space<hbm>> -> memref<256x128xf32, #tpu.memory_space<hbm>>
    %dma_wait3A_99 = arith.constant 0 : i32
    %dma_wait3A_100 = arith.constant 0 : i32
    %dma_wait3A_101 = tpu.memref_slice %arg4[%dma_wait3A_99, %dma_wait3A_100] : memref<819200x128xf32, #tpu.memory_space<hbm>> -> memref<256x128xf32, #tpu.memory_space<hbm>>
    %dma_wait3A_102 = arith.constant 0 : i32
    %dma_wait3A_103 = arith.constant 0 : i32
    %dma_wait3A_104 = tpu.memref_slice %arg6[%dma_wait3A_91, %dma_wait3A_102, %dma_wait3A_103] : memref<2x256x128xf32, #tpu.memory_space<vmem>> -> memref<1x256x128xf32, #tpu.memory_space<vmem>>
    %dma_wait3A_105 = tpu.memref_squeeze %dma_wait3A_104 : memref<1x256x128xf32, #tpu.memory_space<vmem>> -> memref<256x128xf32, #tpu.memory_space<vmem>>
    tpu.wait_dma2 semaphore(%arg10 : memref<!tpu.dma_semaphore, #tpu.memory_space<semaphore_mem>>) src(%dma_wait3A_105 : memref<256x128xf32, #tpu.memory_space<vmem>>) dst(%dma_wait3A_101 : memref<256x128xf32, #tpu.memory_space<hbm>>)
    return
  }
}

</mosaic_0001>

<sc_bundles>
// kernel: _embed.3.cloned.1.call-start
scs
__scs_entry_jumppad:
0x0: {  	(pc) =	sbr.rel $0x88, $3  }
0x1: {  	(tag) =	ssettag $0x0;
	lr =	simm.s32 $0x1  }
0x2: {  	[smem:$0x3F9F] =	sst lr;
	_ =	strace $0xD0000000  }
0x3: {  	_ = 	snop  }
0x4: {  	_ = 	snop  }
0x5: {  	_ = 	snop  }
0x6: {  	_ = 	snop  }
0x7: {  	_ = 	snop  }
__scs_overlays_trampoline_lowered:
0x8: {  	[smem:$0x3FAE] =	sst s0  }
0x9: {  	[smem:$0x3FAF] =	sst s1  }
0xa: {  	[smem:$0x3FB0] =	sst s2  }
0xb: {  	[smem:$0x3FB1] =	sst s3  }
0xc: {  	[smem:$0x3FB2] =	sst s4  }
0xd: {  	[smem:$0x3FB3] =	sst s5  }
0xe: {  	[smem:$0x3FB4] =	sst s6  }
0xf: {  	[smem:$0x3FB5] =	sst s7  }
0x10: {  	[smem:$0x3FB6] =	sst s8  }
0x11: {  	[smem:$0x3FB7] =	sst s9;
	s0 =	simm.s32 @!p0 $0x0  }
0x12: {  	s1 =	sld [smem:$0x3F9D];
	s0 =	simm.s32 @p0 $0x1  }
0x13: {  	[smem:$0x3FB8] =	sst s0;
	s0 =	simm.s32 @!p1 $0x0  }
0x14: {  	s2 =	sld [smem:$0x3F9C];
	s0 =	simm.s32 @p1 $0x1  }
0x15: {  	[smem:$0x3FB9] =	sst s0;
	s0 =	simm.s32 @!p2 $0x0  }
0x16: {  	s3 =	sld [smem:$0x3FDB];
	s0 =	simm.s32 @p2 $0x1  }
0x17: {  	s4 =	simm.s32 $0x1BF5;
	[smem:$0x3FBB] =	sst s0  }
0x18: {  	s0 =	sld [smem:$0x3F9E];
	_ =	swait.ge [sflag:s4], $0x0  }
0x19: {  	s7 =	sld [smem:$0x3F9F]  }
0x1a: {  	s8 =	sadd.s32 $0xFFFFE003, lr  }
0x1b: {  	s9 =	sadd.s32 $0xFFFFFEF7, lr;
	s5 =	simm.s32 $0xFFFFFFFF;
	p2 =	slt.u32 s8, $0xFFFFF086  }
0x1c: {  	p1 =	slt.u32 s9, $0xF7A;
	s5 =	simm.s32 @!p2 $0x0  }
0x1d: {  	s5 =	simm.s32 @p1 $0x1;
	p0 =	seq.s32 s7, s2  }
0x1e: {  	s7 =	smul.u32 @!p0 $0xF7A, s2;
	p2 =	seq.s32 @!p0 s5, $0x0  }
0x1f: {  	s9 =	smul.u32 $0xF7A, s1;
	s8 =	simm.s32 @!p0 $0x1BF5;
	p2 =	por !p2, p0  }
0x20: {  	[sflag:s8] =	ssyncset.s32 @!p0 $0xFFFFF086;
	s6 =	sadd.s32 @!p0 s3, s7;
	s7 =	simm.s32 @!p0 $0x108  }
0x21: {  	s3 =	sadd.s32 s3, s9;
	s6 =	sadd.s32 @!p0 $0x88, s6;
	s7 =	simm.s32 @p2 $0x1082  }
0x22: {  	[simem:s7], [sflag:s8] =	dma.local @!p0 [hbm:s6], $0xF7A  }
0x23: {  	s9 =	sor.u32 $0xD0000000, s2;
	s6 =	simm.s32 $0x108;
	_ =	swait.ge @!p0 [sflag:s8], $0x0  }
0x24: {  	s3 =	sadd.s32 $0x88, s3;
	s6 =	simm.s32 @!p1 $0x1082;
	[sflag:s4] =	ssyncset.s32 $0xFFFFF086  }
0x25: {  	[simem:s6], [sflag:s4] =	dma.local [hbm:s3], $0xF7A  }
0x26: {  	[smem:$0x3F9F] =	sst s1;
	(tag) =	ssettag s2;
	_ =	strace s9  }
0x27: {  	s1 =	sld [smem:$0x3FAF]  }
0x28: {  	s2 =	sld [smem:$0x3FB0]  }
0x29: {  	s4 =	sld [smem:$0x3FB2]  }
0x2a: {  	p0 =	seq.s32 s5, $0x0;
	s5 =	sld [smem:$0x3FB3]  }
0x2b: {  	s6 =	sld [smem:$0x3FB4]  }
0x2c: {  	s7 =	sld [smem:$0x3FB5]  }
0x2d: {  	s3 =	simm.s32 $0x108;
	s8 =	sld [smem:$0x3FB6]  }
0x2e: {  	s3 =	simm.s32 @!p0 $0x1082;
	s9 =	sld [smem:$0x3FB7]  }
0x2f: {  	lr =	sadd.s32 s0, s3;
	s0 =	sld [smem:$0x3FAE]  }
0x30: {  	s3 =	sld [smem:$0x3FB1]  }
0x31: {  	[smem:$0x3FBA] =	sst s10  }
0x32: {  	s10 =	sld [smem:$0x3FB8];
	_ =	sdelay $0x3  }
0x33: {  	p0 =	seq.s32 s10, $0x1;
	s10 =	sld [smem:$0x3FBA];
	_ =	sdelay $0x3  }
0x34: {  	[smem:$0x3FBA] =	sst s10  }
0x35: {  	s10 =	sld [smem:$0x3FB9];
	_ =	sdelay $0x3  }
0x36: {  	p1 =	seq.s32 s10, $0x1;
	s10 =	sld [smem:$0x3FBA];
	_ =	sdelay $0x3  }
0x37: {  	[smem:$0x3FBA] =	sst s10  }
0x38: {  	s10 =	sld [smem:$0x3FBB]  }
0x39: {  	_ = 	snop;
	(pc) =	sbr.ind lr, $3  }
0x3a: {  	_ = 	snop  }
0x3b: {  	_ = 	snop  }
0x3c: {  	p2 =	seq.s32 s10, $0x1;
	s10 =	sld [smem:$0x3FBA]  }
0x3d: {  	_ =	shalt  }
0x3e: {  	_ =	shalt  }
0x3f: {  	_ =	shalt  }
0x40: {  	_ =	shalt  }
0x41: {  	_ =	shalt  }
0x42: {  	_ =	shalt  }
0x43: {  	_ =	shalt  }
0x44: {  	_ =	shalt  }
0x45: {  	_ =	shalt  }
0x46: {  	_ =	shalt  }
0x47: {  	_ =	shalt  }
0x48: {  	_ =	shalt  }
0x49: {  	_ =	shalt  }
0x4a: {  	_ =	shalt  }
0x4b: {  	_ =	shalt  }
0x4c: {  	_ =	shalt  }
0x4d: {  	_ =	shalt  }
0x4e: {  	_ =	shalt  }
0x4f: {  	_ =	shalt  }
0x50: {  	_ =	shalt  }
0x51: {  	_ =	shalt  }
0x52: {  	_ =	shalt  }
0x53: {  	_ =	shalt  }
0x54: {  	_ =	shalt  }
0x55: {  	_ =	shalt  }
0x56: {  	_ =	shalt  }
0x57: {  	_ =	shalt  }
0x58: {  	_ =	shalt  }
0x59: {  	_ =	shalt  }
0x5a: {  	_ =	shalt  }
0x5b: {  	_ =	shalt  }
0x5c: {  	_ =	shalt  }
0x5d: {  	_ =	shalt  }
0x5e: {  	_ =	shalt  }
0x5f: {  	_ =	shalt  }
0x60: {  	_ =	shalt  }
0x61: {  	_ =	shalt  }
0x62: {  	_ =	shalt  }
0x63: {  	_ =	shalt  }
0x64: {  	_ =	shalt  }
0x65: {  	_ =	shalt  }
0x66: {  	_ =	shalt  }
0x67: {  	_ =	shalt  }
0x68: {  	_ =	shalt  }
0x69: {  	_ =	shalt  }
0x6a: {  	_ =	shalt  }
0x6b: {  	_ =	shalt  }
0x6c: {  	_ =	shalt  }
0x6d: {  	_ =	shalt  }
0x6e: {  	_ =	shalt  }
0x6f: {  	_ =	shalt  }
0x70: {  	_ =	shalt  }
0x71: {  	_ =	shalt  }
0x72: {  	_ =	shalt  }
0x73: {  	_ =	shalt  }
0x74: {  	_ =	shalt  }
0x75: {  	_ =	shalt  }
0x76: {  	_ =	shalt  }
0x77: {  	_ =	shalt  }
0x78: {  	_ =	shalt  }
0x79: {  	_ =	shalt  }
0x7a: {  	_ =	shalt  }
0x7b: {  	_ =	shalt  }
0x7c: {  	_ =	shalt  }
0x7d: {  	_ =	shalt  }
0x7e: {  	_ =	shalt  }
0x7f: {  	_ =	shalt  }
0x80: {  	_ =	shalt  }
0x81: {  	_ =	shalt  }
0x82: {  	_ =	shalt  }
0x83: {  	_ =	shalt  }
0x84: {  	_ =	shalt  }
0x85: {  	_ =	shalt  }
0x86: {  	_ =	shalt  }
0x87: {  	_ =	shalt  }
.Lfunc_end0:
.L_simem_size_0:
called_computation_lowered:
.L_overlay_start_0:
0x88: {  	s2 =	sld [smem:$0x3FD9]  }
0x89: {  	s3 =	sld [smem:$0x3FFE];
	_ =	sdelay $0x1  }
0x8a: {  	s1 =	srdreg.scid  }
0x8b: {  	s0 =	sand.u32 $0x1, s1  }
0x8c: {  	s18 =	sshll.u32 s0, $0xA;
	s2 =	sadd.s32 s3, s2  }
0x8d: {  	s2 =	sadd.s32 s2, s18  }
0x8e: {  	[smem:$0x3FC6] =	sst s2  }
0x8f: {  	_ = 	snop  }
0x90: {  	s2 =	sld [smem:$0x3FC9]  }
0x91: {  	s19 =	sld [smem:$0x3FC8]  }
0x92: {  	s4 =	sld [smem:$0x3FD0];
	(tm) =	ssettm $0x1  }
0x93: {  	s5 =	sld [smem:$0x3FFB];
	_ =	sdelay $0x3  }
0x94: {  	_ =	strace s5  }
0x95: {  	s5 =	sld [smem:$0x3FFC];
	_ =	sdelay $0x3  }
0x96: {  	_ =	strace s5  }
0x97: {  	s5 =	sld [smem:$0x3FFD];
	_ =	sdelay $0x3  }
0x98: {  	_ =	strace s5  }
0x99: {  	_ =	strace $0x8FFFFFFF  }
0x9a: {  	s20 =	sld [smem:$0x3FDB];
	_ =	sdelay $0x1  }
0x9b: {  	s6 =	simm.s32 $_scs_section_size  }
0x9c: {  	s7 =	simm.s32 $_size__tile_overlayer_lowered;
	s8 =	simm.s32 $_tile_overlayer_lowered  }
0x9d: {  	s23 =	simm.s32 $0x1BFF;
	s22 =	sshll.u32 s8, $0x1;
	s5 =	sadd.s32 s6, s20  }
0x9e: {  	s9 =	simm.s32 $0x0;
	s21 =	sshll.u32 s7, $0x1;
	s7 =	sadd.s32 s22, s5  }
0x9f: {  	[timem:s9], [sflag:s23] =	dma.local [hbm:s7], s21  }
0xa0: {  	_ =	swait.ge [sflag:s23], s21  }
0xa1: {  	s6 =	ssub.s32 $0x0, s21;
	[sflag:s23] =	ssyncset.done $0x0  }
0xa2: {  	[sflag:s23] =	ssyncadd.s32 s6;
	_ =	sdelay $0x1  }
0xa3: {  	s24 =	simm.s32 $0x1B8B  }
0xa4: {  	_ =	swait.ge [sflag:s24], $0x1  }
0xa5: {  	[sflag:s24] =	ssyncset.done $0x0  }
0xa6: {  	s25 =	simm.s32 $0x1B8E;
	[sflag:s24] =	ssyncadd.s32 $0xFFFFFFFF  }
0xa7: {  	s26 =	simm.s32 $execute0_lowered;
	[smem:$0x3FD2] =	sst s25  }
0xa8: {  	s6 =	sshll.u32 s26, $0x1;
	_ =	strace $0x80000046;
	[dreg:$0x1] =	wrdreg $0xFFFFFFFF  }
0xa9: {  	s28 =	simm.s32 $_size_execute0_lowered;
	s5 =	sadd.s32 s5, s6;
	[dreg:$0x0] =	wrdreg $0x0  }
0xaa: {  	s6 =	sshll.u32 s28, $0x1;
	[dreg:$0x2] =	wrdreg s5  }
0xab: {  	[dreg:$0x3] =	wrdreg s6  }
0xac: {  	[dreg:$0x4] =	wrdreg $0xC0  }
0xad: {  	_ =	task [dreg:s9], $0x5FFFF  }
0xae: {  	[dreg:$0x1] =	wrdreg $0xFFFFFFFF  }
0xaf: {  	[dreg:$0x0] =	wrdreg $0x60  }
0xb0: {  	[dreg:$0x2] =	wrdreg s2  }
0xb1: {  	[dreg:$0x3] =	wrdreg s19  }
0xb2: {  	[dreg:$0x4] =	wrdreg s4  }
0xb3: {  	[dreg:$0x5] =	wrdreg $0x9  }
0xb4: {  	_ =	task.clear_ibuf [dreg:s9], $0x6FFFF;
	_ =	strace $0x90000046  }
0xb5: {  	s29 =	simm.s32 $0x9;
	_ =	strace $0x80000048  }
0xb6: {  	_ =	swait.ge [sflag:s29], $0x1  }
0xb7: {  	[sflag:s29] =	ssyncadd.s32 $0xFFFFFFFF  }
0xb8: {  	_ =	strace $0x90000048  }
0xb9: {  	_ =	sfence  }
0xba: {  	s30 =	sld [smem:$0x0];
	_ =	sdelay $0x2  }
0xbb: {  	s31 =	sshll.u32 s1, $0xD;
	s1 =	sshrl.u32 s1, $0x2  }
0xbc: {  	s3 =	sand.u32 $0x4000, s31;
	s1 =	sadd.s32 s1, s30  }
0xbd: {  	s0 =	sor.u32 s3, s0;
	s1 =	sshll.u32 s1, $0x11  }
0xbe: {  	s0 =	sor.u32 s1, s0  }
0xbf: {  	s0 =	sadd.s32 $0x8F2B, s0  }
0xc0: {  	[sflag:s0] =	ssyncadd.remote.s32 $0x1  }
0xc1: {  	_ =	sfence.sel $0xFFFF  }
0xc2: {  	[dreg:$0x0] =	wrdreg $0xFFFFFFFF;
	(pc) =	sbr.abs _section_cstart, $3  }
0xc3: {  	[dreg:$0x1] =	wrdreg $0xFFFFFFFF  }
0xc4: {  	_ =	task.clear_ibuf [dreg:s9], $0x2FFFF;
	_ =	strace $0x9FFFFFFF  }
0xc5: {  	(tm) =	ssettm $0x7FFFFFFF  }
tec
execute0_lowered:
.L_overlay_start_1:
0x0: {  	(tag) =	ssettag $0x1  }
0x1: {  	s4 =	rddreg [dreg:$0x0]  }
0x2: {  	s1 =	srdreg.scid;
	s2 =	rddreg [dreg:$0x1]  }
0x3: {  	s0 =	stileid.u32;
	s9 =	rddreg [dreg:$0x2];
	s3 =	simm.s32 $0x0  }
0x4: {  	s13 =	simm.s32 $0xE400;
	s14 =	simm.s32 $0x1;
	s15 =	simm.s32 $0x2  }
0x5: {  	s16 =	simm.s32 $0x3;
	s17 =	simm.s32 $0x4;
	s10 =	smul.u32 $0xC8000, s0  }
0x6: {  	s18 =	simm.s32 $0x0;
	s5 =	sand.u32 $0x1, s1;
	s12 =	smul.u32 $0x640000, s0  }
0x7: {  	s29 =	sshll.u32 s0, $0x1;
	s1 =	rddreg [dreg:$0x3];
	s30 =	smul.u32 $0x320000, s5  }
0x8: {  	[smem:$0x7FF] =	sst s3;
	s6 =	sor.u32 s5, s29;
	s31 =	smul.u32 $0x64000, s5  }
0x9: {  	s8 =	ssub.s32 $0x2, s5;
	_ =	strace $0x80000047;
	s7 =	smul.u32 $0xC80, s6  }
0xa: {  	s6 =	smul.u32 $0x320000, s6;
	s11 =	sshrl.u32 s8, $0x1;
	s10 =	sadd.s32 s10, s9  }
0xb: {  	s8 =	ssub.s32 s8, s11;
	s11 =	sadd.s32 s30, s12;
	s10 =	sadd.s32 s31, s10  }
0xc: {  	s12 =	simm.s32 $0x6400;
	s6 =	sshrl.u32 s6, $0x3;
	s4 =	sadd.s32 s4, s7  }
0xd: {  	s11 =	sshrl.u32 s11, $0x3;
	s7 =	smax.u32 s8, $0x1;
	s8 =	sadd.s32 $0x1000, s10  }
0xe: {  	s10 =	simm.s32 $0x5;
	s6 =	sadd.s32 s9, s6;
	s9 =	sadd.s32 s11, s9  }
0xf: {  	s11 =	simm.s32 $0x100;
	s5 =	sadd.s32 $0x62000, s6;
	s6 =	sadd.s32 $0x63000, s6  }
.LBB2_1:
0x10: {  	[tilespmem:s3], [sflag:$0x5] =	stream.linear.gather [hbm4b:s4+s3], $0x6400, $0x38;
	[tilespmem:$0x16400] =	vst v63  }
0x11: {  	_ =	swait.ge [sflag:s10], $0x6400  }
0x12: {  	[sflag:s10] =	ssyncset.done $0x0  }
0x13: {  	[sflag:s10] =	ssyncadd.s32 $0xFFFF9C00  }
0x14: {  	[tilespmem:s12], [sflag:$0x1] =	stream.indirect.gather [hbm4b:s2+s11], $0x80, s3, s11, $0xb8;
	[tilespmem:$0x16400] =	vst v63  }
0x15: {  	_ = 	snop  }
0x16: {  	[tilespmem:s13], [sflag:$0x2] =	stream.indirect.gather [hbm4b:s2+s11], $0x80, s11, s11, $0xb8;
	[tilespmem:$0x16400] =	vst v63  }
0x17: {  	_ =	swait.ge [sflag:s14], $0x8000  }
0x18: {  	[sflag:s14] =	ssyncset.done $0x0  }
0x19: {  	s19 =	sadd.s32 $0x0, s9;
	[sflag:s14] =	ssyncadd.s32 $0xFFFF8000  }
0x1a: {  	[hbm4b:s19+s3] =	stream.linear.scatter [tilespmem:s12], [sflag:$0x3], $0x8000, $0x38;
	[tilespmem:$0x16400] =	vst v63  }
0x1b: {  	_ =	swait.ge [sflag:s15], $0x8000  }
0x1c: {  	[sflag:s15] =	ssyncset.done $0x0  }
0x1d: {  	s30 =	sadd.s32 $0x0, s8;
	[sflag:s15] =	ssyncadd.s32 $0xFFFF8000  }
0x1e: {  	[hbm4b:s30+s3] =	stream.linear.scatter [tilespmem:s13], [sflag:$0x4], $0x8000, $0x38;
	[tilespmem:$0x16400] =	vst v63  }
0x1f: {  	_ =	swait.ge [sflag:s16], $0x8000  }
0x20: {  	[sflag:s16] =	ssyncset.done $0x0  }
0x21: {  	s31 =	simm.s32 $0x200;
	[sflag:s16] =	ssyncadd.s32 $0xFFFF8000  }
0x22: {  	[tilespmem:s12], [sflag:$0x1] =	stream.indirect.gather [hbm4b:s2+s11], $0x80, s31, s11, $0xb8;
	[tilespmem:$0x16400] =	vst v63  }
0x23: {  	_ =	swait.ge [sflag:s17], $0x8000  }
0x24: {  	s20 =	simm.s32 $0x2000;
	[sflag:s17] =	ssyncset.done $0x0  }
0x25: {  	s21 =	simm.s32 $0x500;
	s19 =	simm.s32 $0x300;
	[sflag:s17] =	ssyncadd.s32 $0xFFFF8000  }
.LBB2_2:
0x26: {  	[tilespmem:s13], [sflag:$0x2] =	stream.indirect.gather [hbm4b:s2+s11], $0x80, s19, s11, $0xb8;
	[tilespmem:$0x16400] =	vst v63  }
0x27: {  	s22 =	smov.u32 s20;
	s19 =	smov.u32 s21  }
0x28: {  	p0 =	sne.s32 s20, $0x60000;
	s20 =	sadd.s32 $0x2000, s20;
	_ =	swait.ge [sflag:s14], $0x8000  }
0x29: {  	[sflag:s14] =	ssyncset.done $0x0  }
0x2a: {  	s23 =	sadd.s32 s22, s9;
	[sflag:s14] =	ssyncadd.s32 $0xFFFF8000  }
0x2b: {  	[hbm4b:s23+s3] =	stream.linear.scatter [tilespmem:s12], [sflag:$0x3], $0x8000, $0x38;
	[tilespmem:$0x16400] =	vst v63  }
0x2c: {  	_ =	swait.ge [sflag:s15], $0x8000  }
0x2d: {  	[sflag:s15] =	ssyncset.done $0x0  }
0x2e: {  	s22 =	sadd.s32 s22, s8;
	[sflag:s15] =	ssyncadd.s32 $0xFFFF8000  }
0x2f: {  	[hbm4b:s22+s3] =	stream.linear.scatter [tilespmem:s13], [sflag:$0x4], $0x8000, $0x38;
	[tilespmem:$0x16400] =	vst v63  }
0x30: {  	_ =	swait.ge [sflag:s16], $0x8000  }
0x31: {  	[sflag:s16] =	ssyncset.done $0x0  }
.Ltmp0:
0x32: {  	s22 =	sadd.s32 $0xFFFFFF00, s21;
	[sflag:s16] =	ssyncadd.s32 $0xFFFF8000;
	(pc) =	sbr.rel @p0 .LBB2_2-.Ltmp0, $4  }
0x33: {  	[tilespmem:s12], [sflag:$0x1] =	stream.indirect.gather [hbm4b:s2+s11], $0x80, s22, s11, $0xb8;
	[tilespmem:$0x16400] =	vst v63  }
0x34: {  	_ =	swait.ge [sflag:s17], $0x8000  }
0x35: {  	[sflag:s17] =	ssyncset.done $0x0  }
0x36: {  	s21 =	sadd.s32 $0x200, s21;
	[sflag:s17] =	ssyncadd.s32 $0xFFFF8000  }
0x37: {  	[tilespmem:s13], [sflag:$0x2] =	stream.indirect.gather [hbm4b:s2+s11], $0x80, s19, s11, $0xb8;
	[tilespmem:$0x16400] =	vst v63  }
0x38: {  	_ =	swait.ge [sflag:s14], $0x8000  }
0x39: {  	[sflag:s14] =	ssyncset.done $0x0  }
0x3a: {  	[sflag:s14] =	ssyncadd.s32 $0xFFFF8000  }
0x3b: {  	[hbm4b:s5+s3] =	stream.linear.scatter [tilespmem:s12], [sflag:$0x3], $0x8000, $0x38;
	[tilespmem:$0x16400] =	vst v63  }
0x3c: {  	_ =	swait.ge [sflag:s15], $0x8000  }
0x3d: {  	[sflag:s15] =	ssyncset.done $0x0  }
0x3e: {  	s18 =	sadd.s32 $0x1, s18;
	[sflag:s15] =	ssyncadd.s32 $0xFFFF8000  }
0x3f: {  	[hbm4b:s6+s3] =	stream.linear.scatter [tilespmem:s13], [sflag:$0x4], $0x8000, $0x38;
	[tilespmem:$0x16400] =	vst v63  }
0x40: {  	p0 =	sne.s32 s18, s7;
	_ =	swait.ge [sflag:s16], $0x8000  }
.Ltmp1:
0x41: {  	[sflag:s16] =	ssyncset.done $0x0;
	(pc) =	sbr.rel @p0 .LBB2_1-.Ltmp1, $4  }
0x42: {  	[sflag:s16] =	ssyncadd.s32 $0xFFFF8000  }
0x43: {  	_ =	swait.ge [sflag:s17], $0x8000  }
0x44: {  	[sflag:s17] =	ssyncset.done $0x0  }
0x45: {  	[sflag:s17] =	ssyncadd.s32 $0xFFFF8000  }
0x46: {  	_ =	sfence.sel $0x180000  }
0x47: {  	[bflag:$0x0] =	sbarrier.arrive $0xFFFF  }
0x48: {  	p0 =	sne.s32 s0, $0x0;
	_ =	strace $0x90000047  }
0x49: {  	s0 =	sadd.s32 @!p0 $0x100000, s1;
	[bflag:$0x2] =	sbarrier.arrive $0xFFFF  }
0x4a: {  	[sflag:s0] =	ssyncadd.tile.s32 @!p0 $0x1;
	_ =	shalt  }
.Lfunc_end2:
_tile_overlayer_lowered:
.L_overlay_start_2:
0x4b: {  	(tag) =	ssettag $0x2  }
0x4c: {  	s0 =	rddreg [dreg:$0x0];
	s2 =	stileid.u32  }
0x4d: {  	s1 =	rddreg [dreg:$0x1];
	p0 =	sne.s32 s2, $0x0  }
0x4e: {  	s3 =	rddreg [dreg:$0x2];
	[bflag:$0x3] =	sbarrier.arrive $0xFFFF;
	s2 =	simm.s32 @!p0 $0x1C05  }
0x4f: {  	[timem:s3], [sflag:s2] =	dma.local @!p0 [hbm:s0], s1  }
0x50: {  	s0 =	simm.s32 @!p0 $0x5  }
0x51: {  	_ =	swait.ge @!p0 [sflag:s0], s1  }
0x52: {  	s1 =	ssub.s32 @!p0 $0x0, s1;
	[sflag:s0] =	ssyncset.done @!p0 $0x0  }
0x53: {  	[sflag:s0] =	ssyncadd.s32 @!p0 s1  }
0x54: {  	[bflag:$0x3] =	sbarrier.arrive $0xFFFF  }
0x55: {  	_ =	shalt  }

</sc_bundles>
